<compile_context>
chip_gen: v7x
topology: tpu7x:2x2x1
jax: 0.10.2.dev20260603
libtpu: 0.0.44.dev20260713+nightly
codegen_flags: <defaults>
</compile_context>

<pallas_src>
import functools

import jax
import jax.numpy as jnp
from jax import lax
from jax.experimental import pallas as pl
from jax.experimental.pallas import tpu as pltpu
from jax.experimental.pallas import tpu_sc as plsc

VOCAB = 1000
BATCH = 4096
SEQ = 20
B_TOTAL = BATCH * SEQ
NUM_CORES = 2
NUM_SUBCORES = 16
NW = NUM_CORES * NUM_SUBCORES
B_PER_W = B_TOTAL // NW
NBUF = 4
K = 16
NCHUNK = B_PER_W // K
AHEAD = NBUF - 2
STAGE_TILES = 8
STAGE_ROWS = VOCAB // STAGE_TILES


def _gather_kernel(table_hbm, idx_hbm, out_hbm, shared, idx_v,
                   rows0, rows1, rows2, rows3,
                   gsem0, gsem1, gsem2, gsem3,
                   ssem0, ssem1, ssem2, ssem3):
    sid = lax.axis_index("s")
    wid = sid * NUM_CORES + lax.axis_index("c")
    base = wid * B_PER_W

    rows = (rows0, rows1, rows2, rows3)
    gsems = (gsem0, gsem1, gsem2, gsem3)
    ssems = (ssem0, ssem1, ssem2, ssem3)

    @pl.when(sid < STAGE_TILES)
    def _():
        pltpu.sync_copy(
            table_hbm.at[pl.ds(sid * STAGE_ROWS, STAGE_ROWS)],
            shared.at[pl.ds(sid * STAGE_ROWS, STAGE_ROWS)])

    pltpu.sync_copy(idx_hbm.at[pl.ds(base, B_PER_W)], idx_v)
    plsc.subcore_barrier()

    def gather_start(g, p):
        pltpu.async_copy(
            shared.at[idx_v.at[pl.ds(g * K, K)]], rows[p], gsems[p])

    def gather_wait(p):
        pltpu.make_async_copy(
            shared.at[pl.ds(0, K)], rows[p], gsems[p]).wait()

    def scatter_start(g, p):
        pltpu.async_copy(
            rows[p], out_hbm.at[pl.ds(base + g * K, K)], ssems[p])

    def scatter_wait(p):
        pltpu.make_async_copy(
            rows[p], out_hbm.at[pl.ds(base, K)], ssems[p]).wait()

    for p in range(AHEAD):
        gather_start(p, p)

    def round_body(m, carry):
        for p in range(NBUF):
            g = m * NBUF + p
            gather_wait(p)
            scatter_start(g, p)
            pq = (p + NBUF - AHEAD) % NBUF

            @pl.when(g >= AHEAD)
            def _():
                scatter_wait(pq)

            @pl.when(g + NBUF - AHEAD < NCHUNK)
            def _():
                gather_start(g + NBUF - AHEAD, pq)
        return carry

    lax.fori_loop(0, NCHUNK // NBUF, round_body, 0)

    for g in range(NCHUNK - AHEAD, NCHUNK):
        scatter_wait(g % NBUF)


@jax.jit
def _bigram_logits(table, idx_flat):
    mesh = plsc.VectorSubcoreMesh(core_axis_name="c", subcore_axis_name="s")
    run = functools.partial(
        pl.kernel,
        out_type=jax.ShapeDtypeStruct((B_TOTAL, VOCAB), jnp.float32),
        mesh=mesh,
        scratch_types=[
            pltpu.VMEM_SHARED((VOCAB, VOCAB), jnp.float32),
            pltpu.VMEM((B_PER_W,), jnp.int32),
            pltpu.VMEM((K, VOCAB), jnp.float32),
            pltpu.VMEM((K, VOCAB), jnp.float32),
            pltpu.VMEM((K, VOCAB), jnp.float32),
            pltpu.VMEM((K, VOCAB), jnp.float32),
            pltpu.SemaphoreType.DMA,
            pltpu.SemaphoreType.DMA,
            pltpu.SemaphoreType.DMA,
            pltpu.SemaphoreType.DMA,
            pltpu.SemaphoreType.DMA,
            pltpu.SemaphoreType.DMA,
            pltpu.SemaphoreType.DMA,
            pltpu.SemaphoreType.DMA,
        ],
        compiler_params=pltpu.CompilerParams(use_tc_tiling_on_sc=False),
    )(_gather_kernel)
    return run(table, idx_flat)


def kernel(inputs, table):
    idx_flat = inputs.reshape(-1).astype(jnp.int32)
    out = _bigram_logits(table, idx_flat)
    return out.reshape(BATCH, SEQ, VOCAB)

# --- scband reference (transcript-rebuilt; emitter-appended) ---
"""Pipeline reference for scband-bigram-language-model-9036611191155 (READ-ONLY COPY).

The authoritative reference and input builder live on the scoring server;
editing this copy changes nothing except your own understanding.
"""

import jax, jax.numpy as jnp
import numpy as np

VOCAB = 1000
BATCH = 4096
SEQ = 20

def setup_inputs(seed: int = 0) -> dict:
    key = jax.random.key(seed)
    k1, k2 = jax.random.split(key)
    inputs = jax.random.randint(k1, (BATCH, SEQ), 0, VOCAB, dtype=jnp.int64 if jax.config.jax_enable_x64 else jnp.int32)
    # learned parameter: embedding table of shape (vocab_size, vocab_size)
    table = jax.random.normal(k2, (VOCAB, VOCAB), dtype=jnp.float32)
    return {"inputs": inputs, "table": table}

def reference(inputs, table):
    # BigramLanguageModel.forward with targets=None:
    #   logits = self.embedding(inputs) -> gather rows of the table
    logits = jnp.take(table, inputs, axis=0)  # [B, T, vocab]
    return logits

if __name__ == "__main__":
    import jax
    _d = setup_inputs()
    print(jax.jit(kernel)(*tuple(_d.values())))

</pallas_src>

<mosaic_0001>
#map = affine_map<(d0, d1) -> (0, 0)>
#map1 = affine_map<(d0, d1) -> (0)>
module attributes {stable_mosaic.version = 14 : i64} {
  func.func @_gather_kernel(%arg0: i32, %arg1: i32, %arg2: memref<1000x1000xf32, #tpu.memory_space<hbm>>, %arg3: memref<81920xi32, #tpu.memory_space<hbm>>, %arg4: memref<81920x1000xf32, #tpu.memory_space<hbm>>, %arg5: memref<1000x1000xf32, #tpu.memory_space<vmem_shared>>, %arg6: memref<2560xi32, #tpu.memory_space<vmem>>, %arg7: memref<16x1000xf32, #tpu.memory_space<vmem>>, %arg8: memref<16x1000xf32, #tpu.memory_space<vmem>>, %arg9: memref<16x1000xf32, #tpu.memory_space<vmem>>, %arg10: memref<16x1000xf32, #tpu.memory_space<vmem>>, %arg11: memref<!tpu.dma_semaphore, #tpu.memory_space<semaphore_mem>>, %arg12: memref<!tpu.dma_semaphore, #tpu.memory_space<semaphore_mem>>, %arg13: memref<!tpu.dma_semaphore, #tpu.memory_space<semaphore_mem>>, %arg14: memref<!tpu.dma_semaphore, #tpu.memory_space<semaphore_mem>>, %arg15: memref<!tpu.dma_semaphore, #tpu.memory_space<semaphore_mem>>, %arg16: memref<!tpu.dma_semaphore, #tpu.memory_space<semaphore_mem>>, %arg17: memref<!tpu.dma_semaphore, #tpu.memory_space<semaphore_mem>>, %arg18: memref<!tpu.dma_semaphore, #tpu.memory_space<semaphore_mem>>) attributes {dimension_semantics = [#tpu.dimension_semantics<core_parallel>, #tpu.dimension_semantics<subcore_parallel>], iteration_bounds = array<i64: 2, 16>, scalar_prefetch = 0 : i64, scratch_operands = 14 : i64, tpu.core_type = #tpu.core_type<sc_vector_subcore>, window_params = [{transform_indices = #map}, {transform_indices = #map1}, {transform_indices = #map}]} {
    %mul3A = arith.constant 2 : i32
    %mul3A_0 = arith.muli %arg1, %mul3A : i32
    %add3A = arith.addi %mul3A_0, %arg0 : i32
    %mul3A_1 = arith.constant 2560 : i32
    %mul3A_2 = arith.muli %add3A, %mul3A_1 : i32
    %lt3A = arith.constant 8 : i32
    %lt3A_3 = arith.cmpi slt, %arg1, %lt3A : i32
    %convert_element_type3A = arith.extui %lt3A_3 : i1 to i32
    %cond3A = arith.constant 0 : i32
    %cond3A_4 = arith.cmpi ne, %convert_element_type3A, %cond3A : i32
    scf.if %cond3A_4 {
      %mul3A_26 = arith.constant 125 : i32
      %mul3A_27 = arith.muli %arg1, %mul3A_26 : i32
      %mul3A_28 = arith.constant 125 : i32
      %mul3A_29 = arith.muli %arg1, %mul3A_28 : i32
      "tpu.region"() ({
        %run_scoped3A = tpu.sem_alloc : memref<!tpu.dma_semaphore, #tpu.memory_space<semaphore_mem>>
        %dma_start3A_30 = arith.constant 0 : i32
        %dma_start3A_31 = tpu.memref_slice %arg5[%mul3A_29, %dma_start3A_30] : memref<1000x1000xf32, #tpu.memory_space<vmem_shared>> -> memref<125x1000xf32, #tpu.memory_space<vmem_shared>>
        %dma_start3A_32 = arith.constant 0 : i32
        %dma_start3A_33 = tpu.memref_slice %arg2[%mul3A_27, %dma_start3A_32] : memref<1000x1000xf32, #tpu.memory_space<hbm>> -> memref<125x1000xf32, #tpu.memory_space<hbm>>
        tpu.enqueue_dma source(%dma_start3A_33 : memref<125x1000xf32, #tpu.memory_space<hbm>>) target(%dma_start3A_31 : memref<125x1000xf32, #tpu.memory_space<vmem_shared>>) target_semaphore(%run_scoped3A : memref<!tpu.dma_semaphore, #tpu.memory_space<semaphore_mem>>)
        %dma_wait3A_34 = arith.constant 0 : i32
        %dma_wait3A_35 = tpu.memref_slice %arg5[%mul3A_29, %dma_wait3A_34] : memref<1000x1000xf32, #tpu.memory_space<vmem_shared>> -> memref<125x1000xf32, #tpu.memory_space<vmem_shared>>
        %dma_wait3A_36 = arith.constant 0 : i32
        %dma_wait3A_37 = tpu.memref_slice %arg2[%mul3A_27, %dma_wait3A_36] : memref<1000x1000xf32, #tpu.memory_space<hbm>> -> memref<125x1000xf32, #tpu.memory_space<hbm>>
        tpu.wait_dma2 semaphore(%run_scoped3A : memref<!tpu.dma_semaphore, #tpu.memory_space<semaphore_mem>>) src(%dma_wait3A_37 : memref<125x1000xf32, #tpu.memory_space<hbm>>) dst(%dma_wait3A_35 : memref<125x1000xf32, #tpu.memory_space<vmem_shared>>)
        tpu.yield
      }) : () -> ()
    } else {
    }
    "tpu.region"() ({
      %run_scoped3A = tpu.sem_alloc : memref<!tpu.dma_semaphore, #tpu.memory_space<semaphore_mem>>
      %dma_start3A_26 = tpu.memref_slice %arg3[%mul3A_2] : memref<81920xi32, #tpu.memory_space<hbm>> -> memref<2560xi32, #tpu.memory_space<hbm>>
      %dma_start3A_27 = tpu.memref_slice %arg3[%mul3A_2] : memref<81920xi32, #tpu.memory_space<hbm>> -> memref<2560xi32, #tpu.memory_space<hbm>>
      tpu.enqueue_dma source(%dma_start3A_27 : memref<2560xi32, #tpu.memory_space<hbm>>) target(%arg6 : memref<2560xi32, #tpu.memory_space<vmem>>) target_semaphore(%run_scoped3A : memref<!tpu.dma_semaphore, #tpu.memory_space<semaphore_mem>>)
      %dma_wait3A_28 = tpu.memref_slice %arg3[%mul3A_2] : memref<81920xi32, #tpu.memory_space<hbm>> -> memref<2560xi32, #tpu.memory_space<hbm>>
      %dma_wait3A_29 = tpu.memref_slice %arg3[%mul3A_2] : memref<81920xi32, #tpu.memory_space<hbm>> -> memref<2560xi32, #tpu.memory_space<hbm>>
      tpu.wait_dma2 semaphore(%run_scoped3A : memref<!tpu.dma_semaphore, #tpu.memory_space<semaphore_mem>>) src(%dma_wait3A_29 : memref<2560xi32, #tpu.memory_space<hbm>>) dst(%arg6 : memref<2560xi32, #tpu.memory_space<vmem>>)
      tpu.yield
    }) : () -> ()
    %barrier3A = arith.constant 0 : index
    tpu.barrier barrier_id(%barrier3A)
    %dma_start3A = arith.constant 0 : i32
    %dma_start3A_5 = tpu.memref_slice %arg6[%dma_start3A] : memref<2560xi32, #tpu.memory_space<vmem>> -> memref<16xi32, #tpu.memory_space<vmem>>
    %dma_start3A_6 = arith.constant 0 : i32
    %dma_start3A_7 = arith.constant 0 : i32
    %dma_start3A_8 = tpu.memref_slice %arg5[%dma_start3A_6, %dma_start3A_7] : memref<1000x1000xf32, #tpu.memory_space<vmem_shared>> -> memref<1000x1000xf32, #tpu.memory_space<vmem_shared>>
    tpu.enqueue_indirect_dma source(%dma_start3A_8 : memref<1000x1000xf32, #tpu.memory_space<vmem_shared>>) target(%arg7 : memref<16x1000xf32, #tpu.memory_space<vmem>>) offsets(%dma_start3A_5 : memref<16xi32, #tpu.memory_space<vmem>>) semaphore(%arg11 : memref<!tpu.dma_semaphore, #tpu.memory_space<semaphore_mem>>)
    %dma_start3A_9 = arith.constant 16 : i32
    %dma_start3A_10 = tpu.memref_slice %arg6[%dma_start3A_9] : memref<2560xi32, #tpu.memory_space<vmem>> -> memref<16xi32, #tpu.memory_space<vmem>>
    %dma_start3A_11 = arith.constant 0 : i32
    %dma_start3A_12 = arith.constant 0 : i32
    %dma_start3A_13 = tpu.memref_slice %arg5[%dma_start3A_11, %dma_start3A_12] : memref<1000x1000xf32, #tpu.memory_space<vmem_shared>> -> memref<1000x1000xf32, #tpu.memory_space<vmem_shared>>
    tpu.enqueue_indirect_dma source(%dma_start3A_13 : memref<1000x1000xf32, #tpu.memory_space<vmem_shared>>) target(%arg8 : memref<16x1000xf32, #tpu.memory_space<vmem>>) offsets(%dma_start3A_10 : memref<16xi32, #tpu.memory_space<vmem>>) semaphore(%arg12 : memref<!tpu.dma_semaphore, #tpu.memory_space<semaphore_mem>>)
    %scan3A = arith.constant 0 : i32
    %scan3A_14 = arith.constant 0 : i32
    %scan3A_15 = arith.constant 40 : i32
    %scan3A_16 = arith.addi %scan3A_14, %scan3A_15 : i32
    %scan3A_17 = arith.constant 1 : i32
    scf.for %scan3A_26 = %scan3A_14 to %scan3A_16 step %scan3A_17  : i32 {
      %mul3A_27 = arith.constant 4 : i32
      %mul3A_28 = arith.muli %scan3A_26, %mul3A_27 : i32
      %add3A_29 = arith.constant 0 : i32
      %add3A_30 = arith.addi %mul3A_28, %add3A_29 : i32
      %dma_wait3A_31 = arith.constant 0 : i32
      %dma_wait3A_32 = arith.constant 0 : i32
      %dma_wait3A_33 = tpu.memref_slice %arg5[%dma_wait3A_31, %dma_wait3A_32] : memref<1000x1000xf32, #tpu.memory_space<vmem_shared>> -> memref<16x1000xf32, #tpu.memory_space<vmem_shared>>
      %dma_wait3A_34 = arith.constant 0 : i32
      %dma_wait3A_35 = arith.constant 0 : i32
      %dma_wait3A_36 = tpu.memref_slice %arg5[%dma_wait3A_34, %dma_wait3A_35] : memref<1000x1000xf32, #tpu.memory_space<vmem_shared>> -> memref<16x1000xf32, #tpu.memory_space<vmem_shared>>
      tpu.wait_dma2 semaphore(%arg11 : memref<!tpu.dma_semaphore, #tpu.memory_space<semaphore_mem>>) src(%dma_wait3A_36 : memref<16x1000xf32, #tpu.memory_space<vmem_shared>>) dst(%arg7 : memref<16x1000xf32, #tpu.memory_space<vmem>>)
      %mul3A_37 = arith.constant 16 : i32
      %mul3A_38 = arith.muli %add3A_30, %mul3A_37 : i32
      %add3A_39 = arith.addi %mul3A_2, %mul3A_38 : i32
      %dma_start3A_40 = arith.constant 0 : i32
      %dma_start3A_41 = tpu.memref_slice %arg4[%add3A_39, %dma_start3A_40] : memref<81920x1000xf32, #tpu.memory_space<hbm>> -> memref<16x1000xf32, #tpu.memory_space<hbm>>
      %dma_start3A_42 = arith.constant 0 : i32
      %dma_start3A_43 = tpu.memref_slice %arg4[%add3A_39, %dma_start3A_42] : memref<81920x1000xf32, #tpu.memory_space<hbm>> -> memref<16x1000xf32, #tpu.memory_space<hbm>>
      tpu.enqueue_dma source(%arg7 : memref<16x1000xf32, #tpu.memory_space<vmem>>) target(%dma_start3A_43 : memref<16x1000xf32, #tpu.memory_space<hbm>>) target_semaphore(%arg15 : memref<!tpu.dma_semaphore, #tpu.memory_space<semaphore_mem>>)
      %ge3A = arith.constant 2 : i32
      %ge3A_44 = arith.cmpi sge, %add3A_30, %ge3A : i32
      %convert_element_type3A_45 = arith.extui %ge3A_44 : i1 to i32
      %cond3A_46 = arith.constant 0 : i32
      %cond3A_47 = arith.cmpi ne, %convert_element_type3A_45, %cond3A_46 : i32
      scf.if %cond3A_47 {
        %dma_wait3A_149 = arith.constant 0 : i32
        %dma_wait3A_150 = tpu.memref_slice %arg4[%mul3A_2, %dma_wait3A_149] : memref<81920x1000xf32, #tpu.memory_space<hbm>> -> memref<16x1000xf32, #tpu.memory_space<hbm>>
        %dma_wait3A_151 = arith.constant 0 : i32
        %dma_wait3A_152 = tpu.memref_slice %arg4[%mul3A_2, %dma_wait3A_151] : memref<81920x1000xf32, #tpu.memory_space<hbm>> -> memref<16x1000xf32, #tpu.memory_space<hbm>>
        tpu.wait_dma2 semaphore(%arg17 : memref<!tpu.dma_semaphore, #tpu.memory_space<semaphore_mem>>) src(%arg9 : memref<16x1000xf32, #tpu.memory_space<vmem>>) dst(%dma_wait3A_152 : memref<16x1000xf32, #tpu.memory_space<hbm>>)
      } else {
      }
      %add3A_48 = arith.constant 4 : i32
      %add3A_49 = arith.addi %add3A_30, %add3A_48 : i32
      %sub3A = arith.constant 2 : i32
      %sub3A_50 = arith.subi %add3A_49, %sub3A : i32
      %lt3A_51 = arith.constant 160 : i32
      %lt3A_52 = arith.cmpi slt, %sub3A_50, %lt3A_51 : i32
      %convert_element_type3A_53 = arith.extui %lt3A_52 : i1 to i32
      %cond3A_54 = arith.constant 0 : i32
      %cond3A_55 = arith.cmpi ne, %convert_element_type3A_53, %cond3A_54 : i32
      scf.if %cond3A_55 {
        %add3A_149 = arith.constant 4 : i32
        %add3A_150 = arith.addi %add3A_30, %add3A_149 : i32
        %sub3A_151 = arith.constant 2 : i32
        %sub3A_152 = arith.subi %add3A_150, %sub3A_151 : i32
        %mul3A_153 = arith.constant 16 : i32
        %mul3A_154 = arith.muli %sub3A_152, %mul3A_153 : i32
        %dma_start3A_155 = tpu.memref_slice %arg6[%mul3A_154] : memref<2560xi32, #tpu.memory_space<vmem>> -> memref<16xi32, #tpu.memory_space<vmem>>
        %dma_start3A_156 = arith.constant 0 : i32
        %dma_start3A_157 = arith.constant 0 : i32
        %dma_start3A_158 = tpu.memref_slice %arg5[%dma_start3A_156, %dma_start3A_157] : memref<1000x1000xf32, #tpu.memory_space<vmem_shared>> -> memref<1000x1000xf32, #tpu.memory_space<vmem_shared>>
        tpu.enqueue_indirect_dma source(%dma_start3A_158 : memref<1000x1000xf32, #tpu.memory_space<vmem_shared>>) target(%arg9 : memref<16x1000xf32, #tpu.memory_space<vmem>>) offsets(%dma_start3A_155 : memref<16xi32, #tpu.memory_space<vmem>>) semaphore(%arg13 : memref<!tpu.dma_semaphore, #tpu.memory_space<semaphore_mem>>)
      } else {
      }
      %mul3A_56 = arith.constant 4 : i32
      %mul3A_57 = arith.muli %scan3A_26, %mul3A_56 : i32
      %add3A_58 = arith.constant 1 : i32
      %add3A_59 = arith.addi %mul3A_57, %add3A_58 : i32
      %dma_wait3A_60 = arith.constant 0 : i32
      %dma_wait3A_61 = arith.constant 0 : i32
      %dma_wait3A_62 = tpu.memref_slice %arg5[%dma_wait3A_60, %dma_wait3A_61] : memref<1000x1000xf32, #tpu.memory_space<vmem_shared>> -> memref<16x1000xf32, #tpu.memory_space<vmem_shared>>
      %dma_wait3A_63 = arith.constant 0 : i32
      %dma_wait3A_64 = arith.constant 0 : i32
      %dma_wait3A_65 = tpu.memref_slice %arg5[%dma_wait3A_63, %dma_wait3A_64] : memref<1000x1000xf32, #tpu.memory_space<vmem_shared>> -> memref<16x1000xf32, #tpu.memory_space<vmem_shared>>
      tpu.wait_dma2 semaphore(%arg12 : memref<!tpu.dma_semaphore, #tpu.memory_space<semaphore_mem>>) src(%dma_wait3A_65 : memref<16x1000xf32, #tpu.memory_space<vmem_shared>>) dst(%arg8 : memref<16x1000xf32, #tpu.memory_space<vmem>>)
      %mul3A_66 = arith.constant 16 : i32
      %mul3A_67 = arith.muli %add3A_59, %mul3A_66 : i32
      %add3A_68 = arith.addi %mul3A_2, %mul3A_67 : i32
      %dma_start3A_69 = arith.constant 0 : i32
      %dma_start3A_70 = tpu.memref_slice %arg4[%add3A_68, %dma_start3A_69] : memref<81920x1000xf32, #tpu.memory_space<hbm>> -> memref<16x1000xf32, #tpu.memory_space<hbm>>
      %dma_start3A_71 = arith.constant 0 : i32
      %dma_start3A_72 = tpu.memref_slice %arg4[%add3A_68, %dma_start3A_71] : memref<81920x1000xf32, #tpu.memory_space<hbm>> -> memref<16x1000xf32, #tpu.memory_space<hbm>>
      tpu.enqueue_dma source(%arg8 : memref<16x1000xf32, #tpu.memory_space<vmem>>) target(%dma_start3A_72 : memref<16x1000xf32, #tpu.memory_space<hbm>>) target_semaphore(%arg16 : memref<!tpu.dma_semaphore, #tpu.memory_space<semaphore_mem>>)
      %ge3A_73 = arith.constant 2 : i32
      %ge3A_74 = arith.cmpi sge, %add3A_59, %ge3A_73 : i32
      %convert_element_type3A_75 = arith.extui %ge3A_74 : i1 to i32
      %cond3A_76 = arith.constant 0 : i32
      %cond3A_77 = arith.cmpi ne, %convert_element_type3A_75, %cond3A_76 : i32
      scf.if %cond3A_77 {
        %dma_wait3A_149 = arith.constant 0 : i32
        %dma_wait3A_150 = tpu.memref_slice %arg4[%mul3A_2, %dma_wait3A_149] : memref<81920x1000xf32, #tpu.memory_space<hbm>> -> memref<16x1000xf32, #tpu.memory_space<hbm>>
        %dma_wait3A_151 = arith.constant 0 : i32
        %dma_wait3A_152 = tpu.memref_slice %arg4[%mul3A_2, %dma_wait3A_151] : memref<81920x1000xf32, #tpu.memory_space<hbm>> -> memref<16x1000xf32, #tpu.memory_space<hbm>>
        tpu.wait_dma2 semaphore(%arg18 : memref<!tpu.dma_semaphore, #tpu.memory_space<semaphore_mem>>) src(%arg10 : memref<16x1000xf32, #tpu.memory_space<vmem>>) dst(%dma_wait3A_152 : memref<16x1000xf32, #tpu.memory_space<hbm>>)
      } else {
      }
      %add3A_78 = arith.constant 4 : i32
      %add3A_79 = arith.addi %add3A_59, %add3A_78 : i32
      %sub3A_80 = arith.constant 2 : i32
      %sub3A_81 = arith.subi %add3A_79, %sub3A_80 : i32
      %lt3A_82 = arith.constant 160 : i32
      %lt3A_83 = arith.cmpi slt, %sub3A_81, %lt3A_82 : i32
      %convert_element_type3A_84 = arith.extui %lt3A_83 : i1 to i32
      %cond3A_85 = arith.constant 0 : i32
      %cond3A_86 = arith.cmpi ne, %convert_element_type3A_84, %cond3A_85 : i32
      scf.if %cond3A_86 {
        %add3A_149 = arith.constant 4 : i32
        %add3A_150 = arith.addi %add3A_59, %add3A_149 : i32
        %sub3A_151 = arith.constant 2 : i32
        %sub3A_152 = arith.subi %add3A_150, %sub3A_151 : i32
        %mul3A_153 = arith.constant 16 : i32
        %mul3A_154 = arith.muli %sub3A_152, %mul3A_153 : i32
        %dma_start3A_155 = tpu.memref_slice %arg6[%mul3A_154] : memref<2560xi32, #tpu.memory_space<vmem>> -> memref<16xi32, #tpu.memory_space<vmem>>
        %dma_start3A_156 = arith.constant 0 : i32
        %dma_start3A_157 = arith.constant 0 : i32
        %dma_start3A_158 = tpu.memref_slice %arg5[%dma_start3A_156, %dma_start3A_157] : memref<1000x1000xf32, #tpu.memory_space<vmem_shared>> -> memref<1000x1000xf32, #tpu.memory_space<vmem_shared>>
        tpu.enqueue_indirect_dma source(%dma_start3A_158 : memref<1000x1000xf32, #tpu.memory_space<vmem_shared>>) target(%arg10 : memref<16x1000xf32, #tpu.memory_space<vmem>>) offsets(%dma_start3A_155 : memref<16xi32, #tpu.memory_space<vmem>>) semaphore(%arg14 : memref<!tpu.dma_semaphore, #tpu.memory_space<semaphore_mem>>)
      } else {
      }
      %mul3A_87 = arith.constant 4 : i32
      %mul3A_88 = arith.muli %scan3A_26, %mul3A_87 : i32
      %add3A_89 = arith.constant 2 : i32
      %add3A_90 = arith.addi %mul3A_88, %add3A_89 : i32
      %dma_wait3A_91 = arith.constant 0 : i32
      %dma_wait3A_92 = arith.constant 0 : i32
      %dma_wait3A_93 = tpu.memref_slice %arg5[%dma_wait3A_91, %dma_wait3A_92] : memref<1000x1000xf32, #tpu.memory_space<vmem_shared>> -> memref<16x1000xf32, #tpu.memory_space<vmem_shared>>
      %dma_wait3A_94 = arith.constant 0 : i32
      %dma_wait3A_95 = arith.constant 0 : i32
      %dma_wait3A_96 = tpu.memref_slice %arg5[%dma_wait3A_94, %dma_wait3A_95] : memref<1000x1000xf32, #tpu.memory_space<vmem_shared>> -> memref<16x1000xf32, #tpu.memory_space<vmem_shared>>
      tpu.wait_dma2 semaphore(%arg13 : memref<!tpu.dma_semaphore, #tpu.memory_space<semaphore_mem>>) src(%dma_wait3A_96 : memref<16x1000xf32, #tpu.memory_space<vmem_shared>>) dst(%arg9 : memref<16x1000xf32, #tpu.memory_space<vmem>>)
      %mul3A_97 = arith.constant 16 : i32
      %mul3A_98 = arith.muli %add3A_90, %mul3A_97 : i32
      %add3A_99 = arith.addi %mul3A_2, %mul3A_98 : i32
      %dma_start3A_100 = arith.constant 0 : i32
      %dma_start3A_101 = tpu.memref_slice %arg4[%add3A_99, %dma_start3A_100] : memref<81920x1000xf32, #tpu.memory_space<hbm>> -> memref<16x1000xf32, #tpu.memory_space<hbm>>
      %dma_start3A_102 = arith.constant 0 : i32
      %dma_start3A_103 = tpu.memref_slice %arg4[%add3A_99, %dma_start3A_102] : memref<81920x1000xf32, #tpu.memory_space<hbm>> -> memref<16x1000xf32, #tpu.memory_space<hbm>>
      tpu.enqueue_dma source(%arg9 : memref<16x1000xf32, #tpu.memory_space<vmem>>) target(%dma_start3A_103 : memref<16x1000xf32, #tpu.memory_space<hbm>>) target_semaphore(%arg17 : memref<!tpu.dma_semaphore, #tpu.memory_space<semaphore_mem>>)
      %ge3A_104 = arith.constant 2 : i32
      %ge3A_105 = arith.cmpi sge, %add3A_90, %ge3A_104 : i32
      %convert_element_type3A_106 = arith.extui %ge3A_105 : i1 to i32
      %cond3A_107 = arith.constant 0 : i32
      %cond3A_108 = arith.cmpi ne, %convert_element_type3A_106, %cond3A_107 : i32
      scf.if %cond3A_108 {
        %dma_wait3A_149 = arith.constant 0 : i32
        %dma_wait3A_150 = tpu.memref_slice %arg4[%mul3A_2, %dma_wait3A_149] : memref<81920x1000xf32, #tpu.memory_space<hbm>> -> memref<16x1000xf32, #tpu.memory_space<hbm>>
        %dma_wait3A_151 = arith.constant 0 : i32
        %dma_wait3A_152 = tpu.memref_slice %arg4[%mul3A_2, %dma_wait3A_151] : memref<81920x1000xf32, #tpu.memory_space<hbm>> -> memref<16x1000xf32, #tpu.memory_space<hbm>>
        tpu.wait_dma2 semaphore(%arg15 : memref<!tpu.dma_semaphore, #tpu.memory_space<semaphore_mem>>) src(%arg7 : memref<16x1000xf32, #tpu.memory_space<vmem>>) dst(%dma_wait3A_152 : memref<16x1000xf32, #tpu.memory_space<hbm>>)
      } else {
      }
      %add3A_109 = arith.constant 4 : i32
      %add3A_110 = arith.addi %add3A_90, %add3A_109 : i32
      %sub3A_111 = arith.constant 2 : i32
      %sub3A_112 = arith.subi %add3A_110, %sub3A_111 : i32
      %lt3A_113 = arith.constant 160 : i32
      %lt3A_114 = arith.cmpi slt, %sub3A_112, %lt3A_113 : i32
      %convert_element_type3A_115 = arith.extui %lt3A_114 : i1 to i32
      %cond3A_116 = arith.constant 0 : i32
      %cond3A_117 = arith.cmpi ne, %convert_element_type3A_115, %cond3A_116 : i32
      scf.if %cond3A_117 {
        %add3A_149 = arith.constant 4 : i32
        %add3A_150 = arith.addi %add3A_90, %add3A_149 : i32
        %sub3A_151 = arith.constant 2 : i32
        %sub3A_152 = arith.subi %add3A_150, %sub3A_151 : i32
        %mul3A_153 = arith.constant 16 : i32
        %mul3A_154 = arith.muli %sub3A_152, %mul3A_153 : i32
        %dma_start3A_155 = tpu.memref_slice %arg6[%mul3A_154] : memref<2560xi32, #tpu.memory_space<vmem>> -> memref<16xi32, #tpu.memory_space<vmem>>
        %dma_start3A_156 = arith.constant 0 : i32
        %dma_start3A_157 = arith.constant 0 : i32
        %dma_start3A_158 = tpu.memref_slice %arg5[%dma_start3A_156, %dma_start3A_157] : memref<1000x1000xf32, #tpu.memory_space<vmem_shared>> -> memref<1000x1000xf32, #tpu.memory_space<vmem_shared>>
        tpu.enqueue_indirect_dma source(%dma_start3A_158 : memref<1000x1000xf32, #tpu.memory_space<vmem_shared>>) target(%arg7 : memref<16x1000xf32, #tpu.memory_space<vmem>>) offsets(%dma_start3A_155 : memref<16xi32, #tpu.memory_space<vmem>>) semaphore(%arg11 : memref<!tpu.dma_semaphore, #tpu.memory_space<semaphore_mem>>)
      } else {
      }
      %mul3A_118 = arith.constant 4 : i32
      %mul3A_119 = arith.muli %scan3A_26, %mul3A_118 : i32
      %add3A_120 = arith.constant 3 : i32
      %add3A_121 = arith.addi %mul3A_119, %add3A_120 : i32
      %dma_wait3A_122 = arith.constant 0 : i32
      %dma_wait3A_123 = arith.constant 0 : i32
      %dma_wait3A_124 = tpu.memref_slice %arg5[%dma_wait3A_122, %dma_wait3A_123] : memref<1000x1000xf32, #tpu.memory_space<vmem_shared>> -> memref<16x1000xf32, #tpu.memory_space<vmem_shared>>
      %dma_wait3A_125 = arith.constant 0 : i32
      %dma_wait3A_126 = arith.constant 0 : i32
      %dma_wait3A_127 = tpu.memref_slice %arg5[%dma_wait3A_125, %dma_wait3A_126] : memref<1000x1000xf32, #tpu.memory_space<vmem_shared>> -> memref<16x1000xf32, #tpu.memory_space<vmem_shared>>
      tpu.wait_dma2 semaphore(%arg14 : memref<!tpu.dma_semaphore, #tpu.memory_space<semaphore_mem>>) src(%dma_wait3A_127 : memref<16x1000xf32, #tpu.memory_space<vmem_shared>>) dst(%arg10 : memref<16x1000xf32, #tpu.memory_space<vmem>>)
      %mul3A_128 = arith.constant 16 : i32
      %mul3A_129 = arith.muli %add3A_121, %mul3A_128 : i32
      %add3A_130 = arith.addi %mul3A_2, %mul3A_129 : i32
      %dma_start3A_131 = arith.constant 0 : i32
      %dma_start3A_132 = tpu.memref_slice %arg4[%add3A_130, %dma_start3A_131] : memref<81920x1000xf32, #tpu.memory_space<hbm>> -> memref<16x1000xf32, #tpu.memory_space<hbm>>
      %dma_start3A_133 = arith.constant 0 : i32
      %dma_start3A_134 = tpu.memref_slice %arg4[%add3A_130, %dma_start3A_133] : memref<81920x1000xf32, #tpu.memory_space<hbm>> -> memref<16x1000xf32, #tpu.memory_space<hbm>>
      tpu.enqueue_dma source(%arg10 : memref<16x1000xf32, #tpu.memory_space<vmem>>) target(%dma_start3A_134 : memref<16x1000xf32, #tpu.memory_space<hbm>>) target_semaphore(%arg18 : memref<!tpu.dma_semaphore, #tpu.memory_space<semaphore_mem>>)
      %ge3A_135 = arith.constant 2 : i32
      %ge3A_136 = arith.cmpi sge, %add3A_121, %ge3A_135 : i32
      %convert_element_type3A_137 = arith.extui %ge3A_136 : i1 to i32
      %cond3A_138 = arith.constant 0 : i32
      %cond3A_139 = arith.cmpi ne, %convert_element_type3A_137, %cond3A_138 : i32
      scf.if %cond3A_139 {
        %dma_wait3A_149 = arith.constant 0 : i32
        %dma_wait3A_150 = tpu.memref_slice %arg4[%mul3A_2, %dma_wait3A_149] : memref<81920x1000xf32, #tpu.memory_space<hbm>> -> memref<16x1000xf32, #tpu.memory_space<hbm>>
        %dma_wait3A_151 = arith.constant 0 : i32
        %dma_wait3A_152 = tpu.memref_slice %arg4[%mul3A_2, %dma_wait3A_151] : memref<81920x1000xf32, #tpu.memory_space<hbm>> -> memref<16x1000xf32, #tpu.memory_space<hbm>>
        tpu.wait_dma2 semaphore(%arg16 : memref<!tpu.dma_semaphore, #tpu.memory_space<semaphore_mem>>) src(%arg8 : memref<16x1000xf32, #tpu.memory_space<vmem>>) dst(%dma_wait3A_152 : memref<16x1000xf32, #tpu.memory_space<hbm>>)
      } else {
      }
      %add3A_140 = arith.constant 4 : i32
      %add3A_141 = arith.addi %add3A_121, %add3A_140 : i32
      %sub3A_142 = arith.constant 2 : i32
      %sub3A_143 = arith.subi %add3A_141, %sub3A_142 : i32
      %lt3A_144 = arith.constant 160 : i32
      %lt3A_145 = arith.cmpi slt, %sub3A_143, %lt3A_144 : i32
      %convert_element_type3A_146 = arith.extui %lt3A_145 : i1 to i32
      %cond3A_147 = arith.constant 0 : i32
      %cond3A_148 = arith.cmpi ne, %convert_element_type3A_146, %cond3A_147 : i32
      scf.if %cond3A_148 {
        %add3A_149 = arith.constant 4 : i32
        %add3A_150 = arith.addi %add3A_121, %add3A_149 : i32
        %sub3A_151 = arith.constant 2 : i32
        %sub3A_152 = arith.subi %add3A_150, %sub3A_151 : i32
        %mul3A_153 = arith.constant 16 : i32
        %mul3A_154 = arith.muli %sub3A_152, %mul3A_153 : i32
        %dma_start3A_155 = tpu.memref_slice %arg6[%mul3A_154] : memref<2560xi32, #tpu.memory_space<vmem>> -> memref<16xi32, #tpu.memory_space<vmem>>
        %dma_start3A_156 = arith.constant 0 : i32
        %dma_start3A_157 = arith.constant 0 : i32
        %dma_start3A_158 = tpu.memref_slice %arg5[%dma_start3A_156, %dma_start3A_157] : memref<1000x1000xf32, #tpu.memory_space<vmem_shared>> -> memref<1000x1000xf32, #tpu.memory_space<vmem_shared>>
        tpu.enqueue_indirect_dma source(%dma_start3A_158 : memref<1000x1000xf32, #tpu.memory_space<vmem_shared>>) target(%arg8 : memref<16x1000xf32, #tpu.memory_space<vmem>>) offsets(%dma_start3A_155 : memref<16xi32, #tpu.memory_space<vmem>>) semaphore(%arg12 : memref<!tpu.dma_semaphore, #tpu.memory_space<semaphore_mem>>)
      } else {
      }
    }
    %scan3A_18 = arith.constant 40 : i32
    %dma_wait3A = arith.constant 0 : i32
    %dma_wait3A_19 = tpu.memref_slice %arg4[%mul3A_2, %dma_wait3A] : memref<81920x1000xf32, #tpu.memory_space<hbm>> -> memref<16x1000xf32, #tpu.memory_space<hbm>>
    %dma_wait3A_20 = arith.constant 0 : i32
    %dma_wait3A_21 = tpu.memref_slice %arg4[%mul3A_2, %dma_wait3A_20] : memref<81920x1000xf32, #tpu.memory_space<hbm>> -> memref<16x1000xf32, #tpu.memory_space<hbm>>
    tpu.wait_dma2 semaphore(%arg17 : memref<!tpu.dma_semaphore, #tpu.memory_space<semaphore_mem>>) src(%arg9 : memref<16x1000xf32, #tpu.memory_space<vmem>>) dst(%dma_wait3A_21 : memref<16x1000xf32, #tpu.memory_space<hbm>>)
    %dma_wait3A_22 = arith.constant 0 : i32
    %dma_wait3A_23 = tpu.memref_slice %arg4[%mul3A_2, %dma_wait3A_22] : memref<81920x1000xf32, #tpu.memory_space<hbm>> -> memref<16x1000xf32, #tpu.memory_space<hbm>>
    %dma_wait3A_24 = arith.constant 0 : i32
    %dma_wait3A_25 = tpu.memref_slice %arg4[%mul3A_2, %dma_wait3A_24] : memref<81920x1000xf32, #tpu.memory_space<hbm>> -> memref<16x1000xf32, #tpu.memory_space<hbm>>
    tpu.wait_dma2 semaphore(%arg18 : memref<!tpu.dma_semaphore, #tpu.memory_space<semaphore_mem>>) src(%arg10 : memref<16x1000xf32, #tpu.memory_space<vmem>>) dst(%dma_wait3A_25 : memref<16x1000xf32, #tpu.memory_space<hbm>>)
    return
  }
}

</mosaic_0001>

<sc_bundles>
// kernel: _bigram_logits.3.cloned.1.call-start
scs
__scs_entry_jumppad:
0x0: {  	(pc) =	sbr.rel $0x88, $3  }
0x1: {  	(tag) =	ssettag $0x0;
	lr =	simm.s32 $0x1  }
0x2: {  	[smem:$0x3F9F] =	sst lr;
	_ =	strace $0xD0000000  }
0x3: {  	_ = 	snop  }
0x4: {  	_ = 	snop  }
0x5: {  	_ = 	snop  }
0x6: {  	_ = 	snop  }
0x7: {  	_ = 	snop  }
__scs_overlays_trampoline_lowered:
0x8: {  	[smem:$0x3FAE] =	sst s0  }
0x9: {  	[smem:$0x3FAF] =	sst s1  }
0xa: {  	[smem:$0x3FB0] =	sst s2  }
0xb: {  	[smem:$0x3FB1] =	sst s3  }
0xc: {  	[smem:$0x3FB2] =	sst s4  }
0xd: {  	[smem:$0x3FB3] =	sst s5  }
0xe: {  	[smem:$0x3FB4] =	sst s6  }
0xf: {  	[smem:$0x3FB5] =	sst s7  }
0x10: {  	[smem:$0x3FB6] =	sst s8  }
0x11: {  	[smem:$0x3FB7] =	sst s9;
	s0 =	simm.s32 @!p0 $0x0  }
0x12: {  	s1 =	sld [smem:$0x3F9D];
	s0 =	simm.s32 @p0 $0x1  }
0x13: {  	[smem:$0x3FB8] =	sst s0;
	s0 =	simm.s32 @!p1 $0x0  }
0x14: {  	s2 =	sld [smem:$0x3F9C];
	s0 =	simm.s32 @p1 $0x1  }
0x15: {  	[smem:$0x3FB9] =	sst s0;
	s0 =	simm.s32 @!p2 $0x0  }
0x16: {  	s3 =	sld [smem:$0x3FDB];
	s0 =	simm.s32 @p2 $0x1  }
0x17: {  	s4 =	simm.s32 $0x1BF5;
	[smem:$0x3FBB] =	sst s0  }
0x18: {  	s0 =	sld [smem:$0x3F9E];
	_ =	swait.ge [sflag:s4], $0x0  }
0x19: {  	s7 =	sld [smem:$0x3F9F]  }
0x1a: {  	s8 =	sadd.s32 $0xFFFFE003, lr  }
0x1b: {  	s9 =	sadd.s32 $0xFFFFFEF7, lr;
	s5 =	simm.s32 $0xFFFFFFFF;
	p2 =	slt.u32 s8, $0xFFFFF086  }
0x1c: {  	p1 =	slt.u32 s9, $0xF7A;
	s5 =	simm.s32 @!p2 $0x0  }
0x1d: {  	s5 =	simm.s32 @p1 $0x1;
	p0 =	seq.s32 s7, s2  }
0x1e: {  	s7 =	smul.u32 @!p0 $0xF7A, s2;
	p2 =	seq.s32 @!p0 s5, $0x0  }
0x1f: {  	s9 =	smul.u32 $0xF7A, s1;
	s8 =	simm.s32 @!p0 $0x1BF5;
	p2 =	por !p2, p0  }
0x20: {  	[sflag:s8] =	ssyncset.s32 @!p0 $0xFFFFF086;
	s6 =	sadd.s32 @!p0 s3, s7;
	s7 =	simm.s32 @!p0 $0x108  }
0x21: {  	s3 =	sadd.s32 s3, s9;
	s6 =	sadd.s32 @!p0 $0x88, s6;
	s7 =	simm.s32 @p2 $0x1082  }
0x22: {  	[simem:s7], [sflag:s8] =	dma.local @!p0 [hbm:s6], $0xF7A  }
0x23: {  	s9 =	sor.u32 $0xD0000000, s2;
	s6 =	simm.s32 $0x108;
	_ =	swait.ge @!p0 [sflag:s8], $0x0  }
0x24: {  	s3 =	sadd.s32 $0x88, s3;
	s6 =	simm.s32 @!p1 $0x1082;
	[sflag:s4] =	ssyncset.s32 $0xFFFFF086  }
0x25: {  	[simem:s6], [sflag:s4] =	dma.local [hbm:s3], $0xF7A  }
0x26: {  	[smem:$0x3F9F] =	sst s1;
	(tag) =	ssettag s2;
	_ =	strace s9  }
0x27: {  	s1 =	sld [smem:$0x3FAF]  }
0x28: {  	s2 =	sld [smem:$0x3FB0]  }
0x29: {  	s4 =	sld [smem:$0x3FB2]  }
0x2a: {  	p0 =	seq.s32 s5, $0x0;
	s5 =	sld [smem:$0x3FB3]  }
0x2b: {  	s6 =	sld [smem:$0x3FB4]  }
0x2c: {  	s7 =	sld [smem:$0x3FB5]  }
0x2d: {  	s3 =	simm.s32 $0x108;
	s8 =	sld [smem:$0x3FB6]  }
0x2e: {  	s3 =	simm.s32 @!p0 $0x1082;
	s9 =	sld [smem:$0x3FB7]  }
0x2f: {  	lr =	sadd.s32 s0, s3;
	s0 =	sld [smem:$0x3FAE]  }
0x30: {  	s3 =	sld [smem:$0x3FB1]  }
0x31: {  	[smem:$0x3FBA] =	sst s10  }
0x32: {  	s10 =	sld [smem:$0x3FB8];
	_ =	sdelay $0x3  }
0x33: {  	p0 =	seq.s32 s10, $0x1;
	s10 =	sld [smem:$0x3FBA];
	_ =	sdelay $0x3  }
0x34: {  	[smem:$0x3FBA] =	sst s10  }
0x35: {  	s10 =	sld [smem:$0x3FB9];
	_ =	sdelay $0x3  }
0x36: {  	p1 =	seq.s32 s10, $0x1;
	s10 =	sld [smem:$0x3FBA];
	_ =	sdelay $0x3  }
0x37: {  	[smem:$0x3FBA] =	sst s10  }
0x38: {  	s10 =	sld [smem:$0x3FBB]  }
0x39: {  	_ = 	snop;
	(pc) =	sbr.ind lr, $3  }
0x3a: {  	_ = 	snop  }
0x3b: {  	_ = 	snop  }
0x3c: {  	p2 =	seq.s32 s10, $0x1;
	s10 =	sld [smem:$0x3FBA]  }
0x3d: {  	_ =	shalt  }
0x3e: {  	_ =	shalt  }
0x3f: {  	_ =	shalt  }
0x40: {  	_ =	shalt  }
0x41: {  	_ =	shalt  }
0x42: {  	_ =	shalt  }
0x43: {  	_ =	shalt  }
0x44: {  	_ =	shalt  }
0x45: {  	_ =	shalt  }
0x46: {  	_ =	shalt  }
0x47: {  	_ =	shalt  }
0x48: {  	_ =	shalt  }
0x49: {  	_ =	shalt  }
0x4a: {  	_ =	shalt  }
0x4b: {  	_ =	shalt  }
0x4c: {  	_ =	shalt  }
0x4d: {  	_ =	shalt  }
0x4e: {  	_ =	shalt  }
0x4f: {  	_ =	shalt  }
0x50: {  	_ =	shalt  }
0x51: {  	_ =	shalt  }
0x52: {  	_ =	shalt  }
0x53: {  	_ =	shalt  }
0x54: {  	_ =	shalt  }
0x55: {  	_ =	shalt  }
0x56: {  	_ =	shalt  }
0x57: {  	_ =	shalt  }
0x58: {  	_ =	shalt  }
0x59: {  	_ =	shalt  }
0x5a: {  	_ =	shalt  }
0x5b: {  	_ =	shalt  }
0x5c: {  	_ =	shalt  }
0x5d: {  	_ =	shalt  }
0x5e: {  	_ =	shalt  }
0x5f: {  	_ =	shalt  }
0x60: {  	_ =	shalt  }
0x61: {  	_ =	shalt  }
0x62: {  	_ =	shalt  }
0x63: {  	_ =	shalt  }
0x64: {  	_ =	shalt  }
0x65: {  	_ =	shalt  }
0x66: {  	_ =	shalt  }
0x67: {  	_ =	shalt  }
0x68: {  	_ =	shalt  }
0x69: {  	_ =	shalt  }
0x6a: {  	_ =	shalt  }
0x6b: {  	_ =	shalt  }
0x6c: {  	_ =	shalt  }
0x6d: {  	_ =	shalt  }
0x6e: {  	_ =	shalt  }
0x6f: {  	_ =	shalt  }
0x70: {  	_ =	shalt  }
0x71: {  	_ =	shalt  }
0x72: {  	_ =	shalt  }
0x73: {  	_ =	shalt  }
0x74: {  	_ =	shalt  }
0x75: {  	_ =	shalt  }
0x76: {  	_ =	shalt  }
0x77: {  	_ =	shalt  }
0x78: {  	_ =	shalt  }
0x79: {  	_ =	shalt  }
0x7a: {  	_ =	shalt  }
0x7b: {  	_ =	shalt  }
0x7c: {  	_ =	shalt  }
0x7d: {  	_ =	shalt  }
0x7e: {  	_ =	shalt  }
0x7f: {  	_ =	shalt  }
0x80: {  	_ =	shalt  }
0x81: {  	_ =	shalt  }
0x82: {  	_ =	shalt  }
0x83: {  	_ =	shalt  }
0x84: {  	_ =	shalt  }
0x85: {  	_ =	shalt  }
0x86: {  	_ =	shalt  }
0x87: {  	_ =	shalt  }
.Lfunc_end0:
.L_simem_size_0:
called_computation.1_lowered:
.L_overlay_start_0:
0x88: {  	s2 =	sld [smem:$0x3FD9]  }
0x89: {  	s3 =	sld [smem:$0x3FFE];
	_ =	sdelay $0x1  }
0x8a: {  	s1 =	srdreg.scid  }
0x8b: {  	s0 =	sand.u32 $0x1, s1  }
0x8c: {  	s17 =	sshll.u32 s0, $0xA;
	s2 =	sadd.s32 s3, s2  }
0x8d: {  	s2 =	sadd.s32 s2, s17  }
0x8e: {  	[smem:$0x3FC6] =	sst s2  }
0x8f: {  	_ = 	snop  }
0x90: {  	s2 =	sld [smem:$0x3FC8]  }
0x91: {  	s18 =	sld [smem:$0x3FD0];
	(tm) =	ssettm $0x1  }
0x92: {  	s4 =	sld [smem:$0x3FFB];
	_ =	sdelay $0x3  }
0x93: {  	_ =	strace s4  }
0x94: {  	s4 =	sld [smem:$0x3FFC];
	_ =	sdelay $0x3  }
0x95: {  	_ =	strace s4  }
0x96: {  	s4 =	sld [smem:$0x3FFD];
	_ =	sdelay $0x3  }
0x97: {  	_ =	strace s4  }
0x98: {  	_ =	strace $0x8FFFFFFF  }
0x99: {  	s19 =	sld [smem:$0x3FDB];
	_ =	sdelay $0x1  }
0x9a: {  	s5 =	simm.s32 $_scs_section_size  }
0x9b: {  	s6 =	simm.s32 $_size__tile_overlayer_lowered;
	s7 =	simm.s32 $_tile_overlayer_lowered  }
0x9c: {  	s22 =	simm.s32 $0x1BFF;
	s21 =	sshll.u32 s7, $0x1;
	s4 =	sadd.s32 s5, s19  }
0x9d: {  	s8 =	simm.s32 $0x0;
	s20 =	sshll.u32 s6, $0x1;
	s6 =	sadd.s32 s21, s4  }
0x9e: {  	[timem:s8], [sflag:s22] =	dma.local [hbm:s6], s20  }
0x9f: {  	_ =	swait.ge [sflag:s22], s20  }
0xa0: {  	s5 =	ssub.s32 $0x0, s20;
	[sflag:s22] =	ssyncset.done $0x0  }
0xa1: {  	[sflag:s22] =	ssyncadd.s32 s5;
	_ =	sdelay $0x1  }
0xa2: {  	s23 =	simm.s32 $0x1B8B  }
0xa3: {  	_ =	swait.ge [sflag:s23], $0x1  }
0xa4: {  	[sflag:s23] =	ssyncset.done $0x0  }
0xa5: {  	s25 =	simm.s32 $0x1B8E;
	s24 =	sld [smem:$0x3FFE];
	[sflag:s23] =	ssyncadd.s32 $0xFFFFFFFF  }
0xa6: {  	s26 =	simm.s32 $execute0_lowered;
	[smem:$0x3FD2] =	sst s25  }
0xa7: {  	s6 =	sshll.u32 s26, $0x1;
	_ =	strace $0x80000046;
	[dreg:$0x1] =	wrdreg $0xFFFFFFFF  }
0xa8: {  	s28 =	simm.s32 $_size_execute0_lowered;
	s4 =	sadd.s32 s4, s6;
	[dreg:$0x0] =	wrdreg $0x0  }
0xa9: {  	s6 =	sshll.u32 s28, $0x1;
	[dreg:$0x2] =	wrdreg s4  }
0xaa: {  	[dreg:$0x3] =	wrdreg s6  }
0xab: {  	[dreg:$0x4] =	wrdreg $0xC0  }
0xac: {  	_ =	task [dreg:s8], $0x5FFFF  }
0xad: {  	[dreg:$0x1] =	wrdreg $0xFFFFFFFF  }
0xae: {  	[dreg:$0x0] =	wrdreg $0x60  }
0xaf: {  	[dreg:$0x2] =	wrdreg s24  }
0xb0: {  	[dreg:$0x3] =	wrdreg s2  }
0xb1: {  	[dreg:$0x4] =	wrdreg s18  }
0xb2: {  	[dreg:$0x5] =	wrdreg $0x0  }
0xb3: {  	[dreg:$0x6] =	wrdreg $0x9  }
0xb4: {  	_ =	task.clear_ibuf [dreg:s8], $0x7FFFF;
	_ =	strace $0x90000046  }
0xb5: {  	s29 =	simm.s32 $0x9;
	_ =	strace $0x80000048  }
0xb6: {  	_ =	swait.ge [sflag:s29], $0x1  }
0xb7: {  	[sflag:s29] =	ssyncadd.s32 $0xFFFFFFFF  }
0xb8: {  	_ =	strace $0x90000048  }
0xb9: {  	_ =	sfence  }
0xba: {  	s30 =	sld [smem:$0x0];
	_ =	sdelay $0x2  }
0xbb: {  	s31 =	sshll.u32 s1, $0xD;
	s1 =	sshrl.u32 s1, $0x2  }
0xbc: {  	s3 =	sand.u32 $0x4000, s31;
	s1 =	sadd.s32 s1, s30  }
0xbd: {  	s0 =	sor.u32 s3, s0;
	s1 =	sshll.u32 s1, $0x11  }
0xbe: {  	s0 =	sor.u32 s1, s0  }
0xbf: {  	s0 =	sadd.s32 $0x8F2B, s0  }
0xc0: {  	[sflag:s0] =	ssyncadd.remote.s32 $0x1  }
0xc1: {  	_ =	sfence.sel $0xFFFF  }
0xc2: {  	[dreg:$0x0] =	wrdreg $0xFFFFFFFF;
	(pc) =	sbr.abs _section_cstart, $3  }
0xc3: {  	[dreg:$0x1] =	wrdreg $0xFFFFFFFF  }
0xc4: {  	_ =	task.clear_ibuf [dreg:s8], $0x2FFFF;
	_ =	strace $0x9FFFFFFF  }
0xc5: {  	(tm) =	ssettm $0x7FFFFFFF  }
tec
execute0_lowered:
.L_overlay_start_1:
0x0: {  	(tag) =	ssettag $0x1  }
0x1: {  	s4 =	rddreg [dreg:$0x0]  }
0x2: {  	s5 =	rddreg [dreg:$0x1]  }
0x3: {  	s6 =	rddreg [dreg:$0x2]  }
0x4: {  	s2 =	rddreg [dreg:$0x3];
	s3 =	simm.s32 $0x0  }
0x5: {  	s0 =	stileid.u32;
	s7 =	srdreg.scid;
	s13 =	simm.s32 $0xFE28  }
0x6: {  	s14 =	simm.s32 $0xF438;
	s15 =	simm.s32 $0x13CA8;
	s16 =	simm.s32 $0x1  }
0x7: {  	s17 =	simm.s32 $0x17B28;
	s18 =	simm.s32 $0x2;
	s19 =	simm.s32 $0x1B9A8  }
0x8: {  	s20 =	simm.s32 $0x3;
	s21 =	simm.s32 $0x5;
	s22 =	simm.s32 $0x4  }
0x9: {  	s23 =	simm.s32 $0x6;
	s24 =	simm.s32 $0x7;
	s25 =	simm.s32 $0x8  }
0xa: {  	s26 =	simm.s32 $0x0;
	[smem:$0x7FF] =	sst s3;
	s8 =	smul.u32 $0x1E848, s0  }
0xb: {  	s7 =	sand.u32 $0x1, s7;
	s10 =	sshll.u32 s0, $0x1;
	s31 =	smul.u32 $0x9C400, s0  }
0xc: {  	p0 =	sgt.u32 s0, $0x7;
	_ =	strace $0x80000047;
	s9 =	ssub.s32 $0x2, s7  }
0xd: {  	s10 =	sor.u32 s7, s10;
	s7 =	smul.u32 $0x4E200, s7;
	s11 =	sshrl.u32 s8, $0x3  }
0xe: {  	s12 =	sshrl.u32 s9, $0x1;
	s10 =	smul.u32 $0xA00, s10;
	s4 =	sadd.s32 s11, s4  }
.Ltmp0:
0xf: {  	s9 =	ssub.s32 s9, s12;
	s11 =	sadd.s32 s8, s2;
	(pc) =	sbr.rel .LBB2_1-.Ltmp0, $4  }
0x10: {  	s8 =	sadd.s32 s31, s6;
	s12 =	simm.s32 $0x10;
	s4 =	sadd.s32 $0x800, s4  }
0x11: {  	s10 =	sshrl.u32 s10, $0x3;
	s6 =	smax.u32 s9, $0x1;
	s7 =	sadd.s32 s7, s8  }
0x12: {  	s9 =	sshrl.u32 @!p0 s11, $0x3;
	s5 =	sadd.s32 s5, s10;
	s10 =	sshll.u32 @!p0 s0, $0x6  }
0x13: {  	s11 =	simm.s32 $0x9;
	s8 =	sor.u32 @!p0 $0x1C09, s10;
	s10 =	simm.s32 $0xF428  }
.LBB2_4:
0x14: {  	s26 =	sadd.s32 $0x1, s26  }
0x15: {  	_ =	swait.ge [sflag:s24], $0x3E80;
	p1 =	sne.s32 s26, s6  }
.Ltmp1:
0x16: {  	[sflag:s24] =	ssyncset.done $0x0;
	(pc) =	sbr.rel @!p1 .LBB2_5-.Ltmp1, $4  }
0x17: {  	[sflag:s24] =	ssyncadd.s32 $0xFFFFC180  }
0x18: {  	_ =	swait.ge [sflag:s25], $0x3E80  }
0x19: {  	[sflag:s25] =	ssyncset.done $0x0  }
0x1a: {  	[sflag:s25] =	ssyncadd.s32 $0xFFFFC180  }
.LBB2_1:
0x1b: {  	[spmem:s9], [sflag:s8] =	dma.local @!p0 [hbm:s4], $0x3D09  }
0x1c: {  	s28 =	simm.s32 @!p0 $0x9  }
0x1d: {  	_ =	swait.ge @!p0 [sflag:s28], $0x3D09  }
0x1e: {  	[sflag:s28] =	ssyncset.done @!p0 $0x0  }
0x1f: {  	[sflag:s28] =	ssyncadd.s32 @!p0 $0xFFFFC2F7  }
0x20: {  	[tilespmem:s10], [sflag:$0x9] =	stream.linear.gather [hbm4b:s5+s3], $0xA00, $0x38;
	[tilespmem:$0x1F828] =	vst v63  }
0x21: {  	_ =	swait.ge [sflag:s11], $0xA00  }
0x22: {  	[sflag:s11] =	ssyncset.done $0x0  }
0x23: {  	[sflag:s11] =	ssyncadd.s32 $0xFFFFF600  }
0x24: {  	[bflag:$0x0] =	sbarrier.arrive $0xFFFF  }
0x25: {  	[tilespmem:s13], [sflag:$0x1] =	stream.indirect.gather [spmem:s2], $0x3E8, s10, s12, $0xb8;
	[tilespmem:$0x1F828] =	vst v63  }
0x26: {  	s29 =	simm.s32 $0x0;
	s28 =	smov.u32 s7  }
0x27: {  	[tilespmem:s15], [sflag:$0x2] =	stream.indirect.gather [spmem:s2], $0x3E8, s14, s12, $0xb8;
	[tilespmem:$0x1F828] =	vst v63  }
.LBB2_2:
0x28: {  	_ =	swait.ge [sflag:s16], $0x3E80  }
0x29: {  	p1 =	seq.s32 s29, $0x0;
	[sflag:s16] =	ssyncset.done $0x0  }
0x2a: {  	s31 =	simm.s32 @!p1 $0x7;
	[sflag:s16] =	ssyncadd.s32 $0xFFFFC180  }
0x2b: {  	[hbm4b:s28+s3] =	stream.linear.scatter [tilespmem:s13], [sflag:$0x5], $0x3E80, $0x38;
	[tilespmem:$0x1F828] =	vst v63  }
0x2c: {  	_ =	swait.ge @!p1 [sflag:s31], $0x3E80  }
0x2d: {  	s30 =	sshra.s32 s29, $0x2;
	[sflag:s31] =	ssyncset.done @!p1 $0x0  }
0x2e: {  	s0 =	sadd.s32 $0xF448, s30;
	[sflag:s31] =	ssyncadd.s32 @!p1 $0xFFFFC180  }
0x2f: {  	[tilespmem:s17], [sflag:$0x3] =	stream.indirect.gather [spmem:s2], $0x3E8, s0, s12, $0xb8;
	[tilespmem:$0x1F828] =	vst v63  }
0x30: {  	_ =	swait.ge [sflag:s18], $0x3E80  }
0x31: {  	[sflag:s18] =	ssyncset.done $0x0  }
0x32: {  	s1 =	sadd.s32 $0x7D0, s28;
	s31 =	simm.s32 @!p1 $0x8;
	[sflag:s18] =	ssyncadd.s32 $0xFFFFC180  }
0x33: {  	[hbm4b:s1+s3] =	stream.linear.scatter [tilespmem:s15], [sflag:$0x6], $0x3E80, $0x38;
	[tilespmem:$0x1F828] =	vst v63  }
0x34: {  	_ =	swait.ge @!p1 [sflag:s31], $0x3E80  }
0x35: {  	[sflag:s31] =	ssyncset.done @!p1 $0x0  }
0x36: {  	s0 =	sadd.s32 $0xF458, s30;
	[sflag:s31] =	ssyncadd.s32 @!p1 $0xFFFFC180  }
0x37: {  	[tilespmem:s19], [sflag:$0x4] =	stream.indirect.gather [spmem:s2], $0x3E8, s0, s12, $0xb8;
	[tilespmem:$0x1F828] =	vst v63  }
0x38: {  	_ =	swait.ge [sflag:s20], $0x3E80  }
0x39: {  	[sflag:s20] =	ssyncset.done $0x0  }
0x3a: {  	s1 =	sadd.s32 $0xFA0, s28;
	[sflag:s20] =	ssyncadd.s32 $0xFFFFC180  }
0x3b: {  	[hbm4b:s1+s3] =	stream.linear.scatter [tilespmem:s17], [sflag:$0x7], $0x3E80, $0x38;
	[tilespmem:$0x1F828] =	vst v63  }
0x3c: {  	p1 =	seq.s32 s29, $0x2700;
	_ =	swait.ge [sflag:s21], $0x3E80  }
0x3d: {  	s31 =	sshra.s32 @!p1 s29, $0x2;
	s0 =	simm.s32 @!p1 $0x10;
	[sflag:s21] =	ssyncset.done $0x0  }
0x3e: {  	s31 =	sadd.s32 @!p1 $0xF468, s31;
	s1 =	simm.s32 @!p1 $0xFE28;
	[sflag:s21] =	ssyncadd.s32 $0xFFFFC180  }
0x3f: {  	[tilespmem:s1], [sflag:$0x1] =	stream.indirect.gather @!p1 [spmem:s2], $0x3E8, s31, s0, $0xb8;
	[tilespmem:$0x1F828] =	vst v63  }
0x40: {  	_ =	swait.ge [sflag:s22], $0x3E80  }
0x41: {  	[sflag:s22] =	ssyncset.done $0x0  }
.Ltmp2:
0x42: {  	s31 =	sadd.s32 $0x1770, s28;
	[sflag:s22] =	ssyncadd.s32 $0xFFFFC180;
	(pc) =	sbr.rel @p1 .LBB2_4-.Ltmp2, $4  }
0x43: {  	[hbm4b:s31+s3] =	stream.linear.scatter [tilespmem:s19], [sflag:$0x8], $0x3E80, $0x38;
	[tilespmem:$0x1F828] =	vst v63  }
0x44: {  	_ =	swait.ge [sflag:s23], $0x3E80  }
0x45: {  	[sflag:s23] =	ssyncset.done $0x0  }
0x46: {  	[sflag:s23] =	ssyncadd.s32 $0xFFFFC180  }
.Ltmp3:
0x47: {  	(pc) =	sbr.rel .LBB2_2-.Ltmp3, $3  }
0x48: {  	_ =	sdelay $0x1  }
0x49: {  	s0 =	sadd.s32 $0xF478, s30;
	s29 =	sadd.s32 $0x100, s29;
	s28 =	sadd.s32 $0x1F40, s28  }
0x4a: {  	[tilespmem:s15], [sflag:$0x2] =	stream.indirect.gather [spmem:s2], $0x3E8, s0, s12, $0xb8;
	[tilespmem:$0x1F828] =	vst v63  }
.LBB2_5:
0x4b: {  	_ =	sfence.sel $0x180000  }
0x4c: {  	[bflag:$0x0] =	sbarrier.arrive $0xFFFF  }
0x4d: {  	_ =	strace $0x90000047  }
0x4e: {  	s0 =	stileid.u32;
	[bflag:$0x2] =	sbarrier.arrive $0xFFFF  }
0x4f: {  	p0 =	sne.s32 s0, $0x0;
	s0 =	rddreg [dreg:$0x4]  }
0x50: {  	s0 =	sadd.s32 @!p0 $0x100000, s0  }
0x51: {  	[sflag:s0] =	ssyncadd.tile.s32 @!p0 $0x1;
	_ =	shalt  }
.Lfunc_end2:
_tile_overlayer_lowered:
.L_overlay_start_2:
0x52: {  	(tag) =	ssettag $0x2  }
0x53: {  	s0 =	rddreg [dreg:$0x0];
	s2 =	stileid.u32  }
0x54: {  	s1 =	rddreg [dreg:$0x1];
	p0 =	sne.s32 s2, $0x0  }
0x55: {  	s3 =	rddreg [dreg:$0x2];
	[bflag:$0x3] =	sbarrier.arrive $0xFFFF;
	s2 =	simm.s32 @!p0 $0x1C09  }
0x56: {  	[timem:s3], [sflag:s2] =	dma.local @!p0 [hbm:s0], s1  }
0x57: {  	s0 =	simm.s32 @!p0 $0x9  }
0x58: {  	_ =	swait.ge @!p0 [sflag:s0], s1  }
0x59: {  	s1 =	ssub.s32 @!p0 $0x0, s1;
	[sflag:s0] =	ssyncset.done @!p0 $0x0  }
0x5a: {  	[sflag:s0] =	ssyncadd.s32 @!p0 s1  }
0x5b: {  	[bflag:$0x3] =	sbarrier.arrive $0xFFFF  }
0x5c: {  	_ =	shalt  }

// kernel: sparse-core-data-format-call.cloned.1.call-start
scs
called_computation_lowered:
.L_overlay_start_0:
0x0: {  	s2 =	sld [smem:$0x3FD9]  }
0x1: {  	s3 =	sld [smem:$0x3FFE];
	_ =	sdelay $0x1  }
0x2: {  	s1 =	srdreg.scid  }
0x3: {  	s0 =	sand.u32 $0x1, s1  }
0x4: {  	s18 =	sshll.u32 s0, $0xA;
	s2 =	sadd.s32 s3, s2  }
0x5: {  	s2 =	sadd.s32 s2, s18  }
0x6: {  	[smem:$0x3FC6] =	sst s2  }
0x7: {  	_ = 	snop  }
0x8: {  	s2 =	sld [smem:$0x3FD0];
	(tm) =	ssettm $0x1  }
0x9: {  	s19 =	sld [smem:$0x3FFB];
	_ =	sdelay $0x3  }
0xa: {  	_ =	strace s19  }
0xb: {  	s3 =	sld [smem:$0x3FFC];
	_ =	sdelay $0x3  }
0xc: {  	_ =	strace s3  }
0xd: {  	s3 =	sld [smem:$0x3FFD];
	_ =	sdelay $0x3  }
0xe: {  	_ =	strace s3  }
0xf: {  	_ =	strace $0x8FFFFFFF  }
0x10: {  	s20 =	sld [smem:$0x3FDB];
	_ =	sdelay $0x1  }
0x11: {  	s4 =	simm.s32 $_scs_section_size  }
0x12: {  	s5 =	simm.s32 $_size__tile_overlayer_lowered;
	s6 =	simm.s32 $_tile_overlayer_lowered  }
0x13: {  	s23 =	simm.s32 $0x1BFF;
	s22 =	sshll.u32 s6, $0x1;
	s3 =	sadd.s32 s4, s20  }
0x14: {  	s7 =	simm.s32 $0x0;
	s21 =	sshll.u32 s5, $0x1;
	s5 =	sadd.s32 s22, s3  }
0x15: {  	[timem:s7], [sflag:s23] =	dma.local [hbm:s5], s21  }
0x16: {  	_ =	swait.ge [sflag:s23], s21  }
0x17: {  	s4 =	ssub.s32 $0x0, s21;
	[sflag:s23] =	ssyncset.done $0x0  }
0x18: {  	[sflag:s23] =	ssyncadd.s32 s4;
	_ =	sdelay $0x1  }
0x19: {  	s24 =	simm.s32 $0x1B8B  }
0x1a: {  	_ =	swait.ge [sflag:s24], $0x1  }
0x1b: {  	[sflag:s24] =	ssyncset.done $0x0  }
0x1c: {  	s26 =	simm.s32 $0x1B8E;
	s25 =	sld [smem:$0x3FFE];
	[sflag:s24] =	ssyncadd.s32 $0xFFFFFFFF  }
0x1d: {  	s27 =	simm.s32 $execute0_lowered;
	[smem:$0x3FD2] =	sst s26  }
0x1e: {  	s5 =	sshll.u32 s27, $0x1;
	_ =	strace $0x80000049;
	[dreg:$0x1] =	wrdreg $0xFFFFFFFF  }
0x1f: {  	s28 =	simm.s32 $_size_execute0_lowered;
	s3 =	sadd.s32 s3, s5;
	[dreg:$0x0] =	wrdreg $0x0  }
0x20: {  	s5 =	sshll.u32 s28, $0x1;
	[dreg:$0x2] =	wrdreg s3  }
0x21: {  	[dreg:$0x3] =	wrdreg s5  }
0x22: {  	[dreg:$0x4] =	wrdreg $0xC0  }
0x23: {  	_ =	task [dreg:s7], $0x5FFFF  }
0x24: {  	[dreg:$0x1] =	wrdreg $0xFFFFFFFF  }
0x25: {  	[dreg:$0x0] =	wrdreg $0x60  }
0x26: {  	[dreg:$0x2] =	wrdreg s25  }
0x27: {  	[dreg:$0x3] =	wrdreg s2  }
0x28: {  	[dreg:$0x4] =	wrdreg $0x9  }
0x29: {  	_ =	task.clear_ibuf [dreg:s7], $0x5FFFF;
	_ =	strace $0x90000049  }
0x2a: {  	s29 =	simm.s32 $0x9;
	_ =	strace $0x8000004B  }
0x2b: {  	_ =	swait.ge [sflag:s29], $0x1  }
0x2c: {  	[sflag:s29] =	ssyncadd.s32 $0xFFFFFFFF  }
0x2d: {  	_ =	strace $0x9000004B  }
0x2e: {  	_ =	sfence  }
0x2f: {  	s30 =	sld [smem:$0x0];
	_ =	sdelay $0x2  }
0x30: {  	s31 =	sshll.u32 s1, $0xD;
	s1 =	sshrl.u32 s1, $0x2  }
0x31: {  	s3 =	sand.u32 $0x4000, s31;
	s1 =	sadd.s32 s1, s30  }
0x32: {  	s0 =	sor.u32 s3, s0;
	s1 =	sshll.u32 s1, $0x11  }
0x33: {  	s0 =	sor.u32 s1, s0  }
0x34: {  	s0 =	sadd.s32 $0x8F2B, s0  }
0x35: {  	[sflag:s0] =	ssyncadd.remote.s32 $0x1  }
0x36: {  	_ =	sfence.sel $0xFFFF  }
0x37: {  	[dreg:$0x0] =	wrdreg $0xFFFFFFFF;
	(pc) =	sbr.abs _section_cstart, $3  }
0x38: {  	[dreg:$0x1] =	wrdreg $0xFFFFFFFF  }
0x39: {  	_ =	task.clear_ibuf [dreg:s7], $0x2FFFF;
	_ =	strace $0x9FFFFFFF  }
0x3a: {  	(tm) =	ssettm $0x7FFFFFFF  }
0x3b: {  	_ =	shalt  }
tec
execute0_lowered:
.L_overlay_start_1:
0x0: {  	(tag) =	ssettag $0x1  }
0x1: {  	s0 =	srdreg.scid;
	s5 =	rddreg [dreg:$0x0]  }
0x2: {  	s3 =	rddreg [dreg:$0x1];
	s1 =	sshll.u32 s0, $0x4  }
0x3: {  	s7 =	simm.s32 $0x1;
	s0 =	stileid.u32;
	s1 =	sand.u32 $0x10, s1  }
0x4: {  	s8 =	simm.s32 $0x2;
	s15 =	simm.s32 $0x0;
	s1 =	sor.u32 s0, s1  }
0x5: {  	s14 =	simm.s32 $0x0;
	s9 =	simm.s32 $0x0;
	s2 =	sshll.u32 s1, $0x7  }
0x6: {  	s10 =	simm.s32 $0x0;
	s11 =	simm.s32 $0x0;
	s6 =	ssub.s32 $0x14000, s2  }
0x7: {  	s13 =	simm.s32 $0x0;
	s5 =	sadd.s32 $0x800, s5;
	s4 =	sand.u32 $0xF80, s6  }
.Ltmp0:
0x8: {  	s1 =	rddreg [dreg:$0x2];
	p0 =	sne.s32 s4, $0x0;
	(pc) =	sbr.rel .LBB1_1-.Ltmp0, $4  }
0x9: {  	_ =	strace $0x8000004A;
	s6 =	sshrl.u32 s6, $0xC;
	s7 =	simm.s32 @!p0 $0x0  }
0xa: {  	s12 =	smov.u32 s2;
	s4 =	simm.s32 $0x1;
	s6 =	sadd.s32 s7, s6  }
0xb: {  	[sflag:s4] =	ssyncpa.u1 $0x0;
	p0 =	por $0x0, $0x0;
	s6 =	sshll.u32 s6, $0x3  }
0xc: {  	[sflag:s8] =	ssyncpa.u1 $0x0;
	s8 =	simm.s32 $0xA0000;
	s7 =	sor.u32 $0x1, s6  }
.LBB1_4:
0xd: {  	s21 =	sshrl.u32 s9, $0x3;
	s22 =	sshll.u32 s10, $0x3;
	s23 =	sshll.u32 s9, $0x7  }
0xe: {  	s24 =	sand.u32 $0x7F, s10;
	s20 =	sshra.s32 s20, $0x2;
	p1 =	sgt.s32 s9, $0x368  }
0xf: {  	s25 =	sshra.s32 s9, $0x1F;
	s26 =	smov.u32 s10;
	s21 =	smul.u32 $0xA0000, s21  }
0x10: {  	s27 =	sshra.s32 s10, $0x1F;
	s22 =	sand.u32 $0xFFFFFC00, s22;
	s23 =	sand.u32 $0x380, s23  }
0x11: {  	s19 =	sadd.s32 s20, s19;
	s28 =	sor.u32 s24, s23;
	s21 =	sadd.s32 s22, s21  }
0x12: {  	s24 =	smov.u32 s9;
	s22 =	sor.u32 s21, s28;
	s21 =	smulhi.u32 $0xCCCCCCCD, s21  }
0x13: {  	v5 =	vld [tilespmem:s17+$0xFFFFFFD0];
	[tilespmem:s18+$0x2040 ss:$0x81] =	vst.msk $0xffff, v4;
	s25 =	sand.u32 s25, s9;
	s24 =	simm.s32 @!p1 $0x368;
	p1 =	sgt.s32 s10, $0x13F80  }
0x14: {  	v58 =	vld [tilespmem:s17+$0xFFFFFFE0];
	[tilespmem:s18+$0x2850 ss:$0x81] =	vst.msk $0xffff, v3;
	s27 =	sand.u32 s27, s10;
	s26 =	simm.s32 @!p1 $0x13F80;
	s30 =	sshrl.u32 s21, $0x13  }
0x15: {  	v59 =	vld [tilespmem:s17+$0xFFFFFFF0];
	[tilespmem:s18+$0x3060 ss:$0x81] =	vst.msk $0xffff, v2;
	s24 =	ssub.s32 s24, s25;
	s27 =	ssub.s32 s26, s27;
	s20 =	smul.u32 $0x20C5, s30  }
0x16: {  	[tilespmem:s18+$0x0 ss:$0x81] =	vst.msk $0xffff, v1;
	v60 =	vld [tilespmem:s17+$0x0];
	s29 =	smulhi.u32 $0xCCCCCCCD, s22;
	s25 =	sadd.s32 $0xFFFFFC98, s24;
	s26 =	sadd.s32 $0xFFFEC080, s27  }
0x17: {  	v61 =	vld [tilespmem:s17+$0x10];
	[tilespmem:s19+$0x3870 ss:$0x81] =	vst.msk $0xffff, v0;
	p1 =	sgt.s32 s25, $0x7F;
	s28 =	sshrl.u32 s21, $0x10;
	s20 =	sshrl.u32 s20, $0x14  }
0x18: {  	v62 =	vld [tilespmem:s17+$0x20];
	[tilespmem:s19+$0x810 ss:$0x81] =	vst.msk $0xffff, v5;
	s21 =	ssub.s32 $0x3E8, s24;
	s23 =	sshrl.u32 s29, $0x10;
	s20 =	smul.u32 $0x3E8, s20  }
0x19: {  	v63 =	vld [tilespmem:s17+$0xFFFFFFC0];
	[tilespmem:s19+$0x1020 ss:$0x81] =	vst.msk $0xffff, v58;
	p2 =	sgt.s32 s26, $0x7F;
	s31 =	smul.u32 $0x14000, s23;
	s23 =	ssub.s32 $0x14000, s27  }
0x1a: {  	[tilespmem:s19+$0x1830 ss:$0x81] =	vst.msk $0xffff, v59;
	s21 =	simm.s32 @p1 $0x0;
	s23 =	simm.s32 @p2 $0x0;
	s17 =	ssub.s32 s28, s20  }
0x1b: {  	[tilespmem:s19+$0x2040 ss:$0x81] =	vst.msk $0xffff, v60;
	s18 =	ssub.s32 s22, s31;
	s29 =	smul.u32 s23, s21;
	s17 =	sand.u32 $0xFFFF, s17  }
0x1c: {  	[tilespmem:s19+$0x2850 ss:$0x81] =	vst.msk $0xffff, v61;
	s30 =	sshrl.u32 s18, $0x3;
	s18 =	sand.u32 $0x7, s18;
	s17 =	smul.u32 $0x2800, s17  }
0x1d: {  	[tilespmem:s19+$0x3060 ss:$0x81] =	vst.msk $0xffff, v62;
	s21 =	sadd.s32 s3, s30;
	s18 =	sshll.u32 s18, $0x12  }
0x1e: {  	[tilespmem:s19+$0x0 ss:$0x81] =	vst.msk $0xffff, v63;
	s31 =	sand.u32 $0x3FFFFFFF, s29;
	s18 =	sor.u32 $0x400, s18;
	s17 =	sadd.s32 s17, s21  }
0x1f: {  	[hbm4b:s17+s18] =	stream.strided.scatter [tilespmem:s16], [sflag:$0x2], s31, s8, s18, $0x20;
	[tilespmem:$0x10100] =	vst v63  }
.LBB1_5:
0x20: {  	p1 =	slt.u32 s13, $0x2  }
0x21: {  	s17 =	smov.u32 s15;
	p2 =	sgt.s32 @!p1 s15, $0x368;
	s16 =	sshra.s32 @!p1 s15, $0x1F  }
0x22: {  	p3 =	sgt.s32 @!p1 s14, $0x13F80;
	s18 =	sshra.s32 @!p1 s14, $0x1F;
	p2 =	por !p2, p1  }
0x23: {  	s15 =	sand.u32 @!p1 s16, s15;
	p3 =	por !p3, p1;
	s16 =	smov.u32 s14  }
0x24: {  	s14 =	sand.u32 @!p1 s18, s14;
	s17 =	simm.s32 @p2 $0x368;
	s16 =	simm.s32 @p3 $0x13F80  }
0x25: {  	s15 =	ssub.s32 @!p1 s17, s15;
	s14 =	ssub.s32 @!p1 s16, s14  }
0x26: {  	s18 =	smov.u32 s12;
	s16 =	sadd.s32 @!p1 $0xFFFFFC98, s15;
	s17 =	sadd.s32 @!p1 $0xFFFEC080, s14  }
0x27: {  	s15 =	ssub.s32 @!p1 $0x3E8, s15;
	p2 =	sgt.s32 @!p1 s16, $0x7F;
	p3 =	sgt.s32 @!p1 s17, $0x7F  }
0x28: {  	s14 =	ssub.s32 @!p1 $0x14000, s14;
	p2 =	por !p2, p1;
	p3 =	por !p3, p1  }
0x29: {  	s16 =	sadd.s32 $0x80, s11;
	s15 =	simm.s32 @!p2 $0x0;
	s14 =	simm.s32 @!p3 $0x0  }
0x2a: {  	p2 =	sgt.s32 s16, $0x3E7;
	s14 =	smul.u32 @!p1 s14, s15;
	s15 =	sadd.s32 $0x1000, s12  }
0x2b: {  	s18 =	smov.u32 @p2 s15  }
0x2c: {  	s16 =	simm.s32 @p2 $0x0;
	p2 =	sgt.s32 s18, $0x13FFF  }
0x2d: {  	s18 =	smov.u32 @p2 s2;
	p2 =	sne.s32 s13, s7  }
.Ltmp1:
0x2e: {  	p0 =	por !p0, !p0;
	s17 =	simm.s32 @!p1 $0x2;
	(pc) =	sbr.rel @!p2 .LBB1_6-.Ltmp1, $4  }
0x2f: {  	s15 =	smov.u32 s9;
	s9 =	smov.u32 s11;
	s14 =	sand.u32 @!p1 $0x3FFFFFFF, s14  }
0x30: {  	s11 =	smov.u32 s16;
	_ =	swait.ge @!p1 [sflag:s17], s14;
	s19 =	ssub.s32 @!p1 $0x0, s14  }
0x31: {  	s14 =	smov.u32 s10;
	s13 =	sadd.s32 $0x1, s13;
	[sflag:s17] =	ssyncset.done @!p1 $0x0  }
0x32: {  	s10 =	smov.u32 s12;
	s12 =	smov.u32 s18;
	[sflag:s17] =	ssyncadd.s32 @!p1 s19  }
.LBB1_1:
0x33: {  	p1 =	sge.u32 s13, s6  }
0x34: {  	s16 =	sshll.u32 @!p1 s12, $0xA  }
0x35: {  	s17 =	sshll.u32 @!p1 s11, $0x3;
	s16 =	sand.u32 @!p1 $0xFFFFE000, s16  }
0x36: {  	s16 =	sadd.s32 @!p1 s16, s17  }
0x37: {  	s16 =	sshrl.u32 @!p1 s16, $0xA  }
0x38: {  	s17 =	smulhi.u32 @!p1 $0xCCCCD, s16  }
0x39: {  	s18 =	sxor.u32 @!p1 $0xFFFFFFFF, s13  }
0x3a: {  	s19 =	sshll.u32 @!p1 s12, $0x7;
	s20 =	sand.u32 @!p1 $0x78, s11;
	s17 =	sshrl.u32 @!p1 s17, $0x4  }
0x3b: {  	s18 =	sshll.u32 @!p1 s18, $0xE;
	s19 =	sand.u32 @!p1 $0x380, s19;
	s17 =	smul.u32 @!p1 $0x14000, s17  }
0x3c: {  	s31 =	sadd.s32 $0xFFFFFFFF, s13;
	s19 =	sor.u32 @!p1 s20, s19;
	s18 =	sand.u32 @!p1 $0x4000, s18  }
0x3d: {  	s16 =	ssub.s32 @!p1 s16, s17;
	s17 =	sshrl.u32 @!p1 s19, $0x3;
	s19 =	sand.u32 @!p1 $0x7, s11  }
0x3e: {  	s16 =	sshll.u32 @!p1 s16, $0x7;
	s17 =	sadd.s32 @!p1 s5, s17;
	s19 =	sshll.u32 @!p1 s19, $0x12  }
0x3f: {  	s16 =	sadd.s32 @!p1 s16, s17;
	s17 =	sor.u32 @!p1 $0x400, s19;
	s19 =	simm.s32 @!p1 $0x2000  }
0x40: {  	[tilespmem:s18], [sflag:$0x1] =	stream.strided.gather @!p1 [hbm4b:s16+s17], $0x4000, s19, s17, $0x38;
	[tilespmem:$0x10100] =	vst v63  }
0x41: {  	p1 =	sge.u32 s31, s6  }
.Ltmp2:
0x42: {  	_ = 	snop;
	(pc) =	sbr.rel @p1 .LBB1_5-.Ltmp2, $1  }
0x43: {  	_ =	sdelay $0x3  }
0x44: {  	s16 =	simm.s32 $0x1  }
0x45: {  	_ =	swait.ge [sflag:s4], $0x4000;
	s16 =	simm.s32 @!p0 $0x0  }
0x46: {  	[sflag:s4] =	ssyncset.done $0x0;
	s17 =	sshll.u32 s16, $0xE  }
0x47: {  	[sflag:s4] =	ssyncadd.s32 $0xFFFFC000;
	s17 =	sor.u32 $0x40, s17  }
0x48: {  	s16 =	smul.u32 $0x10200, s16;
	v0 =	vld [tilespmem:s17+$0x30]  }
0x49: {  	v1 =	vld [tilespmem:s17+$0xFFFFFFD0]  }
0x4a: {  	s16 =	sshrl.u32 s16, $0x2;
	v5 =	vld [tilespmem:s17+$0xFFFFFFE0]  }
0x4b: {  	v6 =	vld [tilespmem:s17+$0xFFFFFFF0];
	s19 =	sor.u32 $0x8000, s16  }
0x4c: {  	s31 =	sand.u32 $0x1, s13;
	v4 =	vld [tilespmem:s17+$0x0];
	s18 =	sadd.s32 $0x0, s19  }
0x4d: {  	v3 =	vld [tilespmem:s17+$0x10];
	s16 =	smul.u32 $0x10200, s31;
	[tilespmem:s18+$0x3870 ss:$0x81] =	vst.msk $0xffff, v0  }
0x4e: {  	v2 =	vld [tilespmem:s17+$0x20];
	[tilespmem:s18+$0x810 ss:$0x81] =	vst.msk $0xffff, v1  }
0x4f: {  	s16 =	sshrl.u32 s16, $0x2;
	v1 =	vld [tilespmem:s17+$0xFFFFFFC0];
	[tilespmem:s18+$0x1020 ss:$0x81] =	vst.msk $0xffff, v5;
	s17 =	sadd.s32 $0x80, s17  }
0x50: {  	s20 =	simm.s32 $0x4;
	s21 =	simm.s32 $0x8;
	s16 =	sor.u32 $0x8000, s16;
	[tilespmem:s18+$0x1830 ss:$0x81] =	vst.msk $0xffff, v6;
	v0 =	vld [tilespmem:s17+$0x30]  }
.LBB1_3:
0x51: {  	p1 =	sne.s32 s21, $0x1FC;
	v5 =	vld [tilespmem:s17+$0xFFFFFFD0];
	[tilespmem:s18+$0x2040 ss:$0x81] =	vst.msk $0xffff, v4  }
0x52: {  	v6 =	vld [tilespmem:s17+$0xFFFFFFE0];
	[tilespmem:s18+$0x2850 ss:$0x81] =	vst.msk $0xffff, v3  }
0x53: {  	s22 =	sshra.s32 s20, $0x2;
	s20 =	smov.u32 s21;
	v7 =	vld [tilespmem:s17+$0xFFFFFFF0];
	[tilespmem:s18+$0x3060 ss:$0x81] =	vst.msk $0xffff, v2  }
.Ltmp3:
0x54: {  	v4 =	vld [tilespmem:s17+$0x0];
	[tilespmem:s18+$0x0 ss:$0x81] =	vst.msk $0xffff, v1;
	s18 =	sadd.s32 s22, s19;
	(pc) =	sbr.rel @p1 .LBB1_3-.Ltmp3, $4  }
0x55: {  	v3 =	vld [tilespmem:s17+$0x10];
	[tilespmem:s18+$0x3870 ss:$0x81] =	vst.msk $0xffff, v0  }
0x56: {  	[tilespmem:s18+$0x810 ss:$0x81] =	vst.msk $0xffff, v5;
	v2 =	vld [tilespmem:s17+$0x20]  }
0x57: {  	v1 =	vld [tilespmem:s17+$0xFFFFFFC0];
	[tilespmem:s18+$0x1020 ss:$0x81] =	vst.msk $0xffff, v6;
	s17 =	sadd.s32 $0x80, s17  }
0x58: {  	s21 =	sadd.s32 $0x4, s21;
	v0 =	vld [tilespmem:s17+$0x30];
	[tilespmem:s18+$0x1830 ss:$0x81] =	vst.msk $0xffff, v7  }
.Ltmp4:
0x59: {  	_ = 	snop;
	(pc) =	sbr.rel .LBB1_4-.Ltmp4, $1  }
0x5a: {  	_ =	sdelay $0x3  }
.LBB1_6:
0x5b: {  	_ =	sfence.sel $0x180000  }
0x5c: {  	s2 =	simm.s32 $0x1;
	[bflag:$0x0] =	sbarrier.arrive $0xFFFF  }
0x5d: {  	s31 =	simm.s32 $0x2;
	[sflag:s2] =	ssyncpa.u1 $0x1  }
0x5e: {  	[sflag:s31] =	ssyncpa.u1 $0x1  }
0x5f: {  	p0 =	sne.s32 s0, $0x0;
	_ =	strace $0x9000004A  }
0x60: {  	s0 =	sadd.s32 @!p0 $0x100000, s1;
	[bflag:$0x2] =	sbarrier.arrive $0xFFFF  }
0x61: {  	[sflag:s0] =	ssyncadd.tile.s32 @!p0 $0x1;
	_ =	shalt  }
.Lfunc_end1:
_tile_overlayer_lowered:
.L_overlay_start_2:
0x62: {  	(tag) =	ssettag $0x2  }
0x63: {  	s0 =	rddreg [dreg:$0x0];
	s2 =	stileid.u32  }
0x64: {  	s1 =	rddreg [dreg:$0x1];
	p0 =	sne.s32 s2, $0x0  }
0x65: {  	s3 =	rddreg [dreg:$0x2];
	[bflag:$0x3] =	sbarrier.arrive $0xFFFF;
	s2 =	simm.s32 @!p0 $0x1C01  }
0x66: {  	[timem:s3], [sflag:s2] =	dma.local @!p0 [hbm:s0], s1  }
0x67: {  	s0 =	simm.s32 @!p0 $0x1  }
0x68: {  	_ =	swait.ge @!p0 [sflag:s0], s1  }
0x69: {  	s1 =	ssub.s32 @!p0 $0x0, s1;
	[sflag:s0] =	ssyncset.done @!p0 $0x0  }
0x6a: {  	[sflag:s0] =	ssyncadd.s32 @!p0 s1  }
0x6b: {  	[bflag:$0x3] =	sbarrier.arrive $0xFFFF  }
0x6c: {  	_ =	shalt  }

</sc_bundles>
